<compile_context>
chip_gen: v7x
topology: tpu7x:2x2x1
jax: 0.10.2.dev20260603
libtpu: 0.0.44.dev20260713+nightly
codegen_flags: <defaults>
</compile_context>

<pallas_src>
import jax
import jax.numpy as jnp
from jax import lax
from jax.experimental import pallas as pl
from jax.experimental.pallas import tpu as pltpu
from jax.experimental.pallas import tpu_sc as plsc

B = 1024
V = 100000
L = 16
NC, NS = 1, 16
NW = NC * NS
BPW = B // NW


def _body(flat_hbm, labels_hbm, tgt_hbm, out_hbm,
          labels_v, tgt_v, idx_v, gt_v, tg_v, loss_v, sem, sem2):
    wid = lax.axis_index("s") * NC + lax.axis_index("c")
    base = wid * BPW
    la_copy = pltpu.async_copy(labels_hbm.at[pl.ds(base, BPW)], labels_v, sem)
    tc_copy = pltpu.async_copy(tgt_hbm, tgt_v, sem2)
    tc_copy.wait()
    t = tgt_v[...][0]
    toff = (((t >> 3) << 13) + ((base >> 7) << 10) + ((t & 7) << 7)
            + (base & 127))
    toff = pl.multiple_of(toff, 32)
    tg_copy = pltpu.async_copy(flat_hbm.at[pl.ds(toff, BPW)], tg_v, sem2)
    la_copy.wait()
    for j in range(BPW // L):
        lbl = labels_v[pl.ds(j * L, L)]
        b = base + j * L + lax.iota(jnp.int32, L)
        idx_v[pl.ds(j * L, L)] = (
            lax.shift_left(lax.shift_right_logical(lbl, 3), 13)
            + lax.shift_left(lax.shift_right_logical(b, 7), 10)
            + lax.shift_left(lbl & 7, 7)
            + (b & 127)
        )
    gt_copy = pltpu.async_copy(flat_hbm.at[idx_v], gt_v, sem)
    tg_copy.wait()
    gt_copy.wait()
    for j in range(BPW // L):
        loss_v[pl.ds(j * L, L)] = gt_v[pl.ds(j * L, L)] - tg_v[pl.ds(j * L, L)]
    pltpu.sync_copy(loss_v, out_hbm.at[pl.ds(base, BPW)])


def kernel(logits, labels, target):
    flat = logits.reshape(8, 128, V // 8, 8).transpose(2, 0, 3, 1).reshape(B * V)
    tgt_arr = jnp.full((L,), target, dtype=jnp.int32)
    mesh = plsc.VectorSubcoreMesh(core_axis_name="c", subcore_axis_name="s", num_cores=NC)
    k = pl.kernel(
        _body,
        out_type=jax.ShapeDtypeStruct((B,), jnp.float32),
        mesh=mesh,
        scratch_types=[
            pltpu.VMEM((BPW,), jnp.int32),
            pltpu.VMEM((L,), jnp.int32),
            pltpu.VMEM((BPW,), jnp.int32),
            pltpu.VMEM((BPW,), jnp.float32),
            pltpu.VMEM((BPW,), jnp.float32),
            pltpu.VMEM((BPW,), jnp.float32),
            pltpu.SemaphoreType.DMA,
            pltpu.SemaphoreType.DMA,
        ],
    )
    return k(flat, labels.astype(jnp.int32), tgt_arr)

# --- scband reference (transcript-rebuilt; emitter-appended) ---
"""Pipeline reference for scband-logits-adv-loss-46557445488927 (READ-ONLY COPY).

The authoritative reference and input builder live on the scoring server;
editing this copy changes nothing except your own understanding.
"""

import jax, jax.numpy as jnp
import numpy as np

B = 1024
V = 100000

def setup_inputs(seed: int = 0) -> dict:
    key = jax.random.key(seed)
    k1, k2 = jax.random.split(key)
    logits = jax.random.normal(k1, (B, V), dtype=jnp.float32)
    labels = jax.random.randint(k2, (B,), 0, V, dtype=jnp.int64 if jax.config.jax_enable_x64 else jnp.int32).astype(jnp.int32)
    target = 7
    return {"logits": logits, "labels": labels, "target": target}

def reference(logits, labels, target):
    # LogitsAdvLoss with use_gt=True and an explicit integer target class:
    # loss = logits[b, labels[b]] - logits[b, target]
    Bn = logits.shape[0]
    batch_idx = jnp.arange(Bn)
    batch_target = jnp.full((Bn,), target, dtype=jnp.int32)
    gt_logit = logits[batch_idx, labels]
    tgt_logit = logits[batch_idx, batch_target]
    loss = gt_logit - tgt_logit
    return loss

if __name__ == "__main__":
    import jax
    _d = setup_inputs()
    print(jax.jit(kernel)(*tuple(_d.values())))

</pallas_src>

<mosaic_0001>
#map = affine_map<(d0, d1) -> (0)>
module attributes {stable_mosaic.version = 14 : i64} {
  func.func @_body(%arg0: i32, %arg1: i32, %arg2: memref<102400000xf32, #tpu.memory_space<hbm>>, %arg3: memref<1024xi32, #tpu.memory_space<hbm>>, %arg4: memref<16xi32, #tpu.memory_space<hbm>>, %arg5: memref<1024xf32, #tpu.memory_space<hbm>>, %arg6: memref<64xi32, #tpu.memory_space<vmem>>, %arg7: memref<16xi32, #tpu.memory_space<vmem>>, %arg8: memref<64xi32, #tpu.memory_space<vmem>>, %arg9: memref<64xf32, #tpu.memory_space<vmem>>, %arg10: memref<64xf32, #tpu.memory_space<vmem>>, %arg11: memref<64xf32, #tpu.memory_space<vmem>>, %arg12: memref<!tpu.dma_semaphore, #tpu.memory_space<semaphore_mem>>, %arg13: memref<!tpu.dma_semaphore, #tpu.memory_space<semaphore_mem>>) attributes {dimension_semantics = [#tpu.dimension_semantics<core_parallel>, #tpu.dimension_semantics<subcore_parallel>], iteration_bounds = array<i64: 1, 16>, scalar_prefetch = 0 : i64, scratch_operands = 8 : i64, tpu.core_type = #tpu.core_type<sc_vector_subcore>, window_params = [{transform_indices = #map}, {transform_indices = #map}, {transform_indices = #map}, {transform_indices = #map}]} {
    %mul3A = arith.constant 1 : i32
    %mul3A_0 = arith.muli %arg1, %mul3A : i32
    %add3A = arith.addi %mul3A_0, %arg0 : i32
    %mul3A_1 = arith.constant 64 : i32
    %mul3A_2 = arith.muli %add3A, %mul3A_1 : i32
    %dma_start3A = tpu.memref_slice %arg3[%mul3A_2] : memref<1024xi32, #tpu.memory_space<hbm>> -> memref<64xi32, #tpu.memory_space<hbm>>
    %dma_start3A_3 = tpu.memref_slice %arg3[%mul3A_2] : memref<1024xi32, #tpu.memory_space<hbm>> -> memref<64xi32, #tpu.memory_space<hbm>>
    tpu.enqueue_dma source(%dma_start3A_3 : memref<64xi32, #tpu.memory_space<hbm>>) target(%arg6 : memref<64xi32, #tpu.memory_space<vmem>>) target_semaphore(%arg12 : memref<!tpu.dma_semaphore, #tpu.memory_space<semaphore_mem>>)
    tpu.enqueue_dma source(%arg4 : memref<16xi32, #tpu.memory_space<hbm>>) target(%arg7 : memref<16xi32, #tpu.memory_space<vmem>>) target_semaphore(%arg13 : memref<!tpu.dma_semaphore, #tpu.memory_space<semaphore_mem>>)
    tpu.wait_dma2 semaphore(%arg13 : memref<!tpu.dma_semaphore, #tpu.memory_space<semaphore_mem>>) src(%arg4 : memref<16xi32, #tpu.memory_space<hbm>>) dst(%arg7 : memref<16xi32, #tpu.memory_space<vmem>>)
    %get3A = arith.constant 0 : index
    %get3A_4 = tpu.vector_load %arg7[%get3A] {strides = array<i32>} : memref<16xi32, #tpu.memory_space<vmem>>, vector<16xi32>,
    %get3A_5 = vector.shape_cast %get3A_4 : vector<16xi32> to vector<16xi32>
    %slice3A = vector.extract_strided_slice %get3A_5 {offsets = [0], sizes = [1], strides = [1]} : vector<16xi32> to vector<1xi32>
    %squeeze3A = vector.extract %slice3A[0] : i32 from vector<1xi32>
    %shift_right_arithmetic3A = arith.constant 3 : i32
    %shift_right_arithmetic3A_6 = arith.shrsi %squeeze3A, %shift_right_arithmetic3A : i32
    %shift_left3A = arith.constant 13 : i32
    %shift_left3A_7 = arith.shli %shift_right_arithmetic3A_6, %shift_left3A : i32
    %shift_right_arithmetic3A_8 = arith.constant 7 : i32
    %shift_right_arithmetic3A_9 = arith.shrsi %mul3A_2, %shift_right_arithmetic3A_8 : i32
    %shift_left3A_10 = arith.constant 10 : i32
    %shift_left3A_11 = arith.shli %shift_right_arithmetic3A_9, %shift_left3A_10 : i32
    %add3A_12 = arith.addi %shift_left3A_7, %shift_left3A_11 : i32
    %and3A = arith.constant 7 : i32
    %and3A_13 = arith.andi %squeeze3A, %and3A : i32
    %shift_left3A_14 = arith.constant 7 : i32
    %shift_left3A_15 = arith.shli %and3A_13, %shift_left3A_14 : i32
    %add3A_16 = arith.addi %add3A_12, %shift_left3A_15 : i32
    %and3A_17 = arith.constant 127 : i32
    %and3A_18 = arith.andi %mul3A_2, %and3A_17 : i32
    %add3A_19 = arith.addi %add3A_16, %and3A_18 : i32
    %multiple_of3A = tpu.assume_multiple %add3A_19, 32 : i32
    %dma_start3A_20 = tpu.memref_slice %arg2[%multiple_of3A] : memref<102400000xf32, #tpu.memory_space<hbm>> -> memref<64xf32, #tpu.memory_space<hbm>>
    %dma_start3A_21 = tpu.memref_slice %arg2[%multiple_of3A] : memref<102400000xf32, #tpu.memory_space<hbm>> -> memref<64xf32, #tpu.memory_space<hbm>>
    tpu.enqueue_dma source(%dma_start3A_21 : memref<64xf32, #tpu.memory_space<hbm>>) target(%arg10 : memref<64xf32, #tpu.memory_space<vmem>>) target_semaphore(%arg13 : memref<!tpu.dma_semaphore, #tpu.memory_space<semaphore_mem>>)
    %dma_wait3A = tpu.memref_slice %arg3[%mul3A_2] : memref<1024xi32, #tpu.memory_space<hbm>> -> memref<64xi32, #tpu.memory_space<hbm>>
    %dma_wait3A_22 = tpu.memref_slice %arg3[%mul3A_2] : memref<1024xi32, #tpu.memory_space<hbm>> -> memref<64xi32, #tpu.memory_space<hbm>>
    tpu.wait_dma2 semaphore(%arg12 : memref<!tpu.dma_semaphore, #tpu.memory_space<semaphore_mem>>) src(%dma_wait3A_22 : memref<64xi32, #tpu.memory_space<hbm>>) dst(%arg6 : memref<64xi32, #tpu.memory_space<vmem>>)
    %get3A_23 = arith.constant 0 : index
    %get3A_24 = tpu.vector_load %arg6[%get3A_23] {strides = array<i32>} : memref<64xi32, #tpu.memory_space<vmem>>, vector<16xi32>,
    %get3A_25 = vector.shape_cast %get3A_24 : vector<16xi32> to vector<16xi32>
    %add3A_26 = arith.constant 0 : i32
    %add3A_27 = arith.addi %mul3A_2, %add3A_26 : i32
    %iota3A = tpu.iota {dimensions = array<i32: 0>} : vector<16xi32>
    %add3A_28 = vector.broadcast %add3A_27 : i32 to vector<16xi32>
    %add3A_29 = arith.addi %add3A_28, %iota3A : vector<16xi32>
    %shift_right_logical3A = arith.constant 3 : i32
    %shift_right_logical3A_30 = vector.broadcast %shift_right_logical3A : i32 to vector<16xi32>
    %shift_right_logical3A_31 = arith.shrui %get3A_25, %shift_right_logical3A_30 : vector<16xi32>
    %shift_left3A_32 = arith.constant 13 : i32
    %shift_left3A_33 = vector.broadcast %shift_left3A_32 : i32 to vector<16xi32>
    %shift_left3A_34 = arith.shli %shift_right_logical3A_31, %shift_left3A_33 : vector<16xi32>
    %shift_right_logical3A_35 = arith.constant 7 : i32
    %shift_right_logical3A_36 = vector.broadcast %shift_right_logical3A_35 : i32 to vector<16xi32>
    %shift_right_logical3A_37 = arith.shrui %add3A_29, %shift_right_logical3A_36 : vector<16xi32>
    %shift_left3A_38 = arith.constant 10 : i32
    %shift_left3A_39 = vector.broadcast %shift_left3A_38 : i32 to vector<16xi32>
    %shift_left3A_40 = arith.shli %shift_right_logical3A_37, %shift_left3A_39 : vector<16xi32>
    %add3A_41 = arith.addi %shift_left3A_34, %shift_left3A_40 : vector<16xi32>
    %and3A_42 = arith.constant 7 : i32
    %and3A_43 = vector.broadcast %and3A_42 : i32 to vector<16xi32>
    %and3A_44 = arith.andi %get3A_25, %and3A_43 : vector<16xi32>
    %shift_left3A_45 = arith.constant 7 : i32
    %shift_left3A_46 = vector.broadcast %shift_left3A_45 : i32 to vector<16xi32>
    %shift_left3A_47 = arith.shli %and3A_44, %shift_left3A_46 : vector<16xi32>
    %add3A_48 = arith.addi %add3A_41, %shift_left3A_47 : vector<16xi32>
    %and3A_49 = arith.constant 127 : i32
    %and3A_50 = vector.broadcast %and3A_49 : i32 to vector<16xi32>
    %and3A_51 = arith.andi %add3A_29, %and3A_50 : vector<16xi32>
    %add3A_52 = arith.addi %add3A_48, %and3A_51 : vector<16xi32>
    %swap3A = arith.constant 0 : index
    %swap3A_53 = tpu.vector_load %arg8[%swap3A] {strides = array<i32>} : memref<64xi32, #tpu.memory_space<vmem>>, vector<16xi32>,
    %swap3A_54 = vector.shape_cast %swap3A_53 : vector<16xi32> to vector<16xi32>
    %swap3A_55 = vector.shape_cast %add3A_52 : vector<16xi32> to vector<16xi32>
    tpu.vector_store %arg8[%swap3A], %swap3A_55 {strides = array<i32>} : memref<64xi32, #tpu.memory_space<vmem>>, vector<16xi32>,
    %get3A_56 = arith.constant 16 : index
    %get3A_57 = tpu.vector_load %arg6[%get3A_56] {strides = array<i32>} : memref<64xi32, #tpu.memory_space<vmem>>, vector<16xi32>,
    %get3A_58 = vector.shape_cast %get3A_57 : vector<16xi32> to vector<16xi32>
    %add3A_59 = arith.constant 16 : i32
    %add3A_60 = arith.addi %mul3A_2, %add3A_59 : i32
    %iota3A_61 = tpu.iota {dimensions = array<i32: 0>} : vector<16xi32>
    %add3A_62 = vector.broadcast %add3A_60 : i32 to vector<16xi32>
    %add3A_63 = arith.addi %add3A_62, %iota3A_61 : vector<16xi32>
    %shift_right_logical3A_64 = arith.constant 3 : i32
    %shift_right_logical3A_65 = vector.broadcast %shift_right_logical3A_64 : i32 to vector<16xi32>
    %shift_right_logical3A_66 = arith.shrui %get3A_58, %shift_right_logical3A_65 : vector<16xi32>
    %shift_left3A_67 = arith.constant 13 : i32
    %shift_left3A_68 = vector.broadcast %shift_left3A_67 : i32 to vector<16xi32>
    %shift_left3A_69 = arith.shli %shift_right_logical3A_66, %shift_left3A_68 : vector<16xi32>
    %shift_right_logical3A_70 = arith.constant 7 : i32
    %shift_right_logical3A_71 = vector.broadcast %shift_right_logical3A_70 : i32 to vector<16xi32>
    %shift_right_logical3A_72 = arith.shrui %add3A_63, %shift_right_logical3A_71 : vector<16xi32>
    %shift_left3A_73 = arith.constant 10 : i32
    %shift_left3A_74 = vector.broadcast %shift_left3A_73 : i32 to vector<16xi32>
    %shift_left3A_75 = arith.shli %shift_right_logical3A_72, %shift_left3A_74 : vector<16xi32>
    %add3A_76 = arith.addi %shift_left3A_69, %shift_left3A_75 : vector<16xi32>
    %and3A_77 = arith.constant 7 : i32
    %and3A_78 = vector.broadcast %and3A_77 : i32 to vector<16xi32>
    %and3A_79 = arith.andi %get3A_58, %and3A_78 : vector<16xi32>
    %shift_left3A_80 = arith.constant 7 : i32
    %shift_left3A_81 = vector.broadcast %shift_left3A_80 : i32 to vector<16xi32>
    %shift_left3A_82 = arith.shli %and3A_79, %shift_left3A_81 : vector<16xi32>
    %add3A_83 = arith.addi %add3A_76, %shift_left3A_82 : vector<16xi32>
    %and3A_84 = arith.constant 127 : i32
    %and3A_85 = vector.broadcast %and3A_84 : i32 to vector<16xi32>
    %and3A_86 = arith.andi %add3A_63, %and3A_85 : vector<16xi32>
    %add3A_87 = arith.addi %add3A_83, %and3A_86 : vector<16xi32>
    %swap3A_88 = arith.constant 16 : index
    %swap3A_89 = tpu.vector_load %arg8[%swap3A_88] {strides = array<i32>} : memref<64xi32, #tpu.memory_space<vmem>>, vector<16xi32>,
    %swap3A_90 = vector.shape_cast %swap3A_89 : vector<16xi32> to vector<16xi32>
    %swap3A_91 = vector.shape_cast %add3A_87 : vector<16xi32> to vector<16xi32>
    tpu.vector_store %arg8[%swap3A_88], %swap3A_91 {strides = array<i32>} : memref<64xi32, #tpu.memory_space<vmem>>, vector<16xi32>,
    %get3A_92 = arith.constant 32 : index
    %get3A_93 = tpu.vector_load %arg6[%get3A_92] {strides = array<i32>} : memref<64xi32, #tpu.memory_space<vmem>>, vector<16xi32>,
    %get3A_94 = vector.shape_cast %get3A_93 : vector<16xi32> to vector<16xi32>
    %add3A_95 = arith.constant 32 : i32
    %add3A_96 = arith.addi %mul3A_2, %add3A_95 : i32
    %iota3A_97 = tpu.iota {dimensions = array<i32: 0>} : vector<16xi32>
    %add3A_98 = vector.broadcast %add3A_96 : i32 to vector<16xi32>
    %add3A_99 = arith.addi %add3A_98, %iota3A_97 : vector<16xi32>
    %shift_right_logical3A_100 = arith.constant 3 : i32
    %shift_right_logical3A_101 = vector.broadcast %shift_right_logical3A_100 : i32 to vector<16xi32>
    %shift_right_logical3A_102 = arith.shrui %get3A_94, %shift_right_logical3A_101 : vector<16xi32>
    %shift_left3A_103 = arith.constant 13 : i32
    %shift_left3A_104 = vector.broadcast %shift_left3A_103 : i32 to vector<16xi32>
    %shift_left3A_105 = arith.shli %shift_right_logical3A_102, %shift_left3A_104 : vector<16xi32>
    %shift_right_logical3A_106 = arith.constant 7 : i32
    %shift_right_logical3A_107 = vector.broadcast %shift_right_logical3A_106 : i32 to vector<16xi32>
    %shift_right_logical3A_108 = arith.shrui %add3A_99, %shift_right_logical3A_107 : vector<16xi32>
    %shift_left3A_109 = arith.constant 10 : i32
    %shift_left3A_110 = vector.broadcast %shift_left3A_109 : i32 to vector<16xi32>
    %shift_left3A_111 = arith.shli %shift_right_logical3A_108, %shift_left3A_110 : vector<16xi32>
    %add3A_112 = arith.addi %shift_left3A_105, %shift_left3A_111 : vector<16xi32>
    %and3A_113 = arith.constant 7 : i32
    %and3A_114 = vector.broadcast %and3A_113 : i32 to vector<16xi32>
    %and3A_115 = arith.andi %get3A_94, %and3A_114 : vector<16xi32>
    %shift_left3A_116 = arith.constant 7 : i32
    %shift_left3A_117 = vector.broadcast %shift_left3A_116 : i32 to vector<16xi32>
    %shift_left3A_118 = arith.shli %and3A_115, %shift_left3A_117 : vector<16xi32>
    %add3A_119 = arith.addi %add3A_112, %shift_left3A_118 : vector<16xi32>
    %and3A_120 = arith.constant 127 : i32
    %and3A_121 = vector.broadcast %and3A_120 : i32 to vector<16xi32>
    %and3A_122 = arith.andi %add3A_99, %and3A_121 : vector<16xi32>
    %add3A_123 = arith.addi %add3A_119, %and3A_122 : vector<16xi32>
    %swap3A_124 = arith.constant 32 : index
    %swap3A_125 = tpu.vector_load %arg8[%swap3A_124] {strides = array<i32>} : memref<64xi32, #tpu.memory_space<vmem>>, vector<16xi32>,
    %swap3A_126 = vector.shape_cast %swap3A_125 : vector<16xi32> to vector<16xi32>
    %swap3A_127 = vector.shape_cast %add3A_123 : vector<16xi32> to vector<16xi32>
    tpu.vector_store %arg8[%swap3A_124], %swap3A_127 {strides = array<i32>} : memref<64xi32, #tpu.memory_space<vmem>>, vector<16xi32>,
    %get3A_128 = arith.constant 48 : index
    %get3A_129 = tpu.vector_load %arg6[%get3A_128] {strides = array<i32>} : memref<64xi32, #tpu.memory_space<vmem>>, vector<16xi32>,
    %get3A_130 = vector.shape_cast %get3A_129 : vector<16xi32> to vector<16xi32>
    %add3A_131 = arith.constant 48 : i32
    %add3A_132 = arith.addi %mul3A_2, %add3A_131 : i32
    %iota3A_133 = tpu.iota {dimensions = array<i32: 0>} : vector<16xi32>
    %add3A_134 = vector.broadcast %add3A_132 : i32 to vector<16xi32>
    %add3A_135 = arith.addi %add3A_134, %iota3A_133 : vector<16xi32>
    %shift_right_logical3A_136 = arith.constant 3 : i32
    %shift_right_logical3A_137 = vector.broadcast %shift_right_logical3A_136 : i32 to vector<16xi32>
    %shift_right_logical3A_138 = arith.shrui %get3A_130, %shift_right_logical3A_137 : vector<16xi32>
    %shift_left3A_139 = arith.constant 13 : i32
    %shift_left3A_140 = vector.broadcast %shift_left3A_139 : i32 to vector<16xi32>
    %shift_left3A_141 = arith.shli %shift_right_logical3A_138, %shift_left3A_140 : vector<16xi32>
    %shift_right_logical3A_142 = arith.constant 7 : i32
    %shift_right_logical3A_143 = vector.broadcast %shift_right_logical3A_142 : i32 to vector<16xi32>
    %shift_right_logical3A_144 = arith.shrui %add3A_135, %shift_right_logical3A_143 : vector<16xi32>
    %shift_left3A_145 = arith.constant 10 : i32
    %shift_left3A_146 = vector.broadcast %shift_left3A_145 : i32 to vector<16xi32>
    %shift_left3A_147 = arith.shli %shift_right_logical3A_144, %shift_left3A_146 : vector<16xi32>
    %add3A_148 = arith.addi %shift_left3A_141, %shift_left3A_147 : vector<16xi32>
    %and3A_149 = arith.constant 7 : i32
    %and3A_150 = vector.broadcast %and3A_149 : i32 to vector<16xi32>
    %and3A_151 = arith.andi %get3A_130, %and3A_150 : vector<16xi32>
    %shift_left3A_152 = arith.constant 7 : i32
    %shift_left3A_153 = vector.broadcast %shift_left3A_152 : i32 to vector<16xi32>
    %shift_left3A_154 = arith.shli %and3A_151, %shift_left3A_153 : vector<16xi32>
    %add3A_155 = arith.addi %add3A_148, %shift_left3A_154 : vector<16xi32>
    %and3A_156 = arith.constant 127 : i32
    %and3A_157 = vector.broadcast %and3A_156 : i32 to vector<16xi32>
    %and3A_158 = arith.andi %add3A_135, %and3A_157 : vector<16xi32>
    %add3A_159 = arith.addi %add3A_155, %and3A_158 : vector<16xi32>
    %swap3A_160 = arith.constant 48 : index
    %swap3A_161 = tpu.vector_load %arg8[%swap3A_160] {strides = array<i32>} : memref<64xi32, #tpu.memory_space<vmem>>, vector<16xi32>,
    %swap3A_162 = vector.shape_cast %swap3A_161 : vector<16xi32> to vector<16xi32>
    %swap3A_163 = vector.shape_cast %add3A_159 : vector<16xi32> to vector<16xi32>
    tpu.vector_store %arg8[%swap3A_160], %swap3A_163 {strides = array<i32>} : memref<64xi32, #tpu.memory_space<vmem>>, vector<16xi32>,
    %dma_start3A_164 = arith.constant 0 : i32
    %dma_start3A_165 = tpu.memref_slice %arg2[%dma_start3A_164] : memref<102400000xf32, #tpu.memory_space<hbm>> -> memref<102400000xf32, #tpu.memory_space<hbm>>
    tpu.enqueue_indirect_dma source(%dma_start3A_165 : memref<102400000xf32, #tpu.memory_space<hbm>>) target(%arg9 : memref<64xf32, #tpu.memory_space<vmem>>) offsets(%arg8 : memref<64xi32, #tpu.memory_space<vmem>>) semaphore(%arg12 : memref<!tpu.dma_semaphore, #tpu.memory_space<semaphore_mem>>)
    %dma_wait3A_166 = tpu.memref_slice %arg2[%multiple_of3A] : memref<102400000xf32, #tpu.memory_space<hbm>> -> memref<64xf32, #tpu.memory_space<hbm>>
    %dma_wait3A_167 = tpu.memref_slice %arg2[%multiple_of3A] : memref<102400000xf32, #tpu.memory_space<hbm>> -> memref<64xf32, #tpu.memory_space<hbm>>
    tpu.wait_dma2 semaphore(%arg13 : memref<!tpu.dma_semaphore, #tpu.memory_space<semaphore_mem>>) src(%dma_wait3A_167 : memref<64xf32, #tpu.memory_space<hbm>>) dst(%arg10 : memref<64xf32, #tpu.memory_space<vmem>>)
    %dma_wait3A_168 = arith.constant 0 : i32
    %dma_wait3A_169 = tpu.memref_slice %arg2[%dma_wait3A_168] : memref<102400000xf32, #tpu.memory_space<hbm>> -> memref<102400000xf32, #tpu.memory_space<hbm>>
    tpu.wait_indirect_dma semaphore(%arg12 : memref<!tpu.dma_semaphore, #tpu.memory_space<semaphore_mem>>) src(%dma_wait3A_169 : memref<102400000xf32, #tpu.memory_space<hbm>>) dst(%arg9 : memref<64xf32, #tpu.memory_space<vmem>>)
    %get3A_170 = arith.constant 0 : index
    %get3A_171 = tpu.vector_load %arg9[%get3A_170] {strides = array<i32>} : memref<64xf32, #tpu.memory_space<vmem>>, vector<16xf32>,
    %get3A_172 = vector.shape_cast %get3A_171 : vector<16xf32> to vector<16xf32>
    %get3A_173 = arith.constant 0 : index
    %get3A_174 = tpu.vector_load %arg10[%get3A_173] {strides = array<i32>} : memref<64xf32, #tpu.memory_space<vmem>>, vector<16xf32>,
    %get3A_175 = vector.shape_cast %get3A_174 : vector<16xf32> to vector<16xf32>
    %sub3A = arith.subf %get3A_172, %get3A_175 : vector<16xf32>
    %swap3A_176 = arith.constant 0 : index
    %swap3A_177 = tpu.vector_load %arg11[%swap3A_176] {strides = array<i32>} : memref<64xf32, #tpu.memory_space<vmem>>, vector<16xf32>,
    %swap3A_178 = vector.shape_cast %swap3A_177 : vector<16xf32> to vector<16xf32>
    %swap3A_179 = vector.shape_cast %sub3A : vector<16xf32> to vector<16xf32>
    tpu.vector_store %arg11[%swap3A_176], %swap3A_179 {strides = array<i32>} : memref<64xf32, #tpu.memory_space<vmem>>, vector<16xf32>,
    %get3A_180 = arith.constant 16 : index
    %get3A_181 = tpu.vector_load %arg9[%get3A_180] {strides = array<i32>} : memref<64xf32, #tpu.memory_space<vmem>>, vector<16xf32>,
    %get3A_182 = vector.shape_cast %get3A_181 : vector<16xf32> to vector<16xf32>
    %get3A_183 = arith.constant 16 : index
    %get3A_184 = tpu.vector_load %arg10[%get3A_183] {strides = array<i32>} : memref<64xf32, #tpu.memory_space<vmem>>, vector<16xf32>,
    %get3A_185 = vector.shape_cast %get3A_184 : vector<16xf32> to vector<16xf32>
    %sub3A_186 = arith.subf %get3A_182, %get3A_185 : vector<16xf32>
    %swap3A_187 = arith.constant 16 : index
    %swap3A_188 = tpu.vector_load %arg11[%swap3A_187] {strides = array<i32>} : memref<64xf32, #tpu.memory_space<vmem>>, vector<16xf32>,
    %swap3A_189 = vector.shape_cast %swap3A_188 : vector<16xf32> to vector<16xf32>
    %swap3A_190 = vector.shape_cast %sub3A_186 : vector<16xf32> to vector<16xf32>
    tpu.vector_store %arg11[%swap3A_187], %swap3A_190 {strides = array<i32>} : memref<64xf32, #tpu.memory_space<vmem>>, vector<16xf32>,
    %get3A_191 = arith.constant 32 : index
    %get3A_192 = tpu.vector_load %arg9[%get3A_191] {strides = array<i32>} : memref<64xf32, #tpu.memory_space<vmem>>, vector<16xf32>,
    %get3A_193 = vector.shape_cast %get3A_192 : vector<16xf32> to vector<16xf32>
    %get3A_194 = arith.constant 32 : index
    %get3A_195 = tpu.vector_load %arg10[%get3A_194] {strides = array<i32>} : memref<64xf32, #tpu.memory_space<vmem>>, vector<16xf32>,
    %get3A_196 = vector.shape_cast %get3A_195 : vector<16xf32> to vector<16xf32>
    %sub3A_197 = arith.subf %get3A_193, %get3A_196 : vector<16xf32>
    %swap3A_198 = arith.constant 32 : index
    %swap3A_199 = tpu.vector_load %arg11[%swap3A_198] {strides = array<i32>} : memref<64xf32, #tpu.memory_space<vmem>>, vector<16xf32>,
    %swap3A_200 = vector.shape_cast %swap3A_199 : vector<16xf32> to vector<16xf32>
    %swap3A_201 = vector.shape_cast %sub3A_197 : vector<16xf32> to vector<16xf32>
    tpu.vector_store %arg11[%swap3A_198], %swap3A_201 {strides = array<i32>} : memref<64xf32, #tpu.memory_space<vmem>>, vector<16xf32>,
    %get3A_202 = arith.constant 48 : index
    %get3A_203 = tpu.vector_load %arg9[%get3A_202] {strides = array<i32>} : memref<64xf32, #tpu.memory_space<vmem>>, vector<16xf32>,
    %get3A_204 = vector.shape_cast %get3A_203 : vector<16xf32> to vector<16xf32>
    %get3A_205 = arith.constant 48 : index
    %get3A_206 = tpu.vector_load %arg10[%get3A_205] {strides = array<i32>} : memref<64xf32, #tpu.memory_space<vmem>>, vector<16xf32>,
    %get3A_207 = vector.shape_cast %get3A_206 : vector<16xf32> to vector<16xf32>
    %sub3A_208 = arith.subf %get3A_204, %get3A_207 : vector<16xf32>
    %swap3A_209 = arith.constant 48 : index
    %swap3A_210 = tpu.vector_load %arg11[%swap3A_209] {strides = array<i32>} : memref<64xf32, #tpu.memory_space<vmem>>, vector<16xf32>,
    %swap3A_211 = vector.shape_cast %swap3A_210 : vector<16xf32> to vector<16xf32>
    %swap3A_212 = vector.shape_cast %sub3A_208 : vector<16xf32> to vector<16xf32>
    tpu.vector_store %arg11[%swap3A_209], %swap3A_212 {strides = array<i32>} : memref<64xf32, #tpu.memory_space<vmem>>, vector<16xf32>,
    "tpu.region"() ({
      %run_scoped3A = tpu.sem_alloc : memref<!tpu.dma_semaphore, #tpu.memory_space<semaphore_mem>>
      %dma_start3A_213 = tpu.memref_slice %arg5[%mul3A_2] : memref<1024xf32, #tpu.memory_space<hbm>> -> memref<64xf32, #tpu.memory_space<hbm>>
      %dma_start3A_214 = tpu.memref_slice %arg5[%mul3A_2] : memref<1024xf32, #tpu.memory_space<hbm>> -> memref<64xf32, #tpu.memory_space<hbm>>
      tpu.enqueue_dma source(%arg11 : memref<64xf32, #tpu.memory_space<vmem>>) target(%dma_start3A_214 : memref<64xf32, #tpu.memory_space<hbm>>) target_semaphore(%run_scoped3A : memref<!tpu.dma_semaphore, #tpu.memory_space<semaphore_mem>>)
      %dma_wait3A_215 = tpu.memref_slice %arg5[%mul3A_2] : memref<1024xf32, #tpu.memory_space<hbm>> -> memref<64xf32, #tpu.memory_space<hbm>>
      %dma_wait3A_216 = tpu.memref_slice %arg5[%mul3A_2] : memref<1024xf32, #tpu.memory_space<hbm>> -> memref<64xf32, #tpu.memory_space<hbm>>
      tpu.wait_dma2 semaphore(%run_scoped3A : memref<!tpu.dma_semaphore, #tpu.memory_space<semaphore_mem>>) src(%arg11 : memref<64xf32, #tpu.memory_space<vmem>>) dst(%dma_wait3A_216 : memref<64xf32, #tpu.memory_space<hbm>>)
      tpu.yield
    }) : () -> ()
    return
  }
}

</mosaic_0001>

<sc_bundles>
// kernel: kernel.3.cloned.1.call-start
scs
__scs_entry_jumppad:
0x0: {  	(pc) =	sbr.rel $0x88, $3  }
0x1: {  	(tag) =	ssettag $0x0;
	lr =	simm.s32 $0x1  }
0x2: {  	[smem:$0x3F9E] =	sst lr;
	_ =	strace $0xD0000000  }
0x3: {  	_ = 	snop  }
0x4: {  	_ = 	snop  }
0x5: {  	_ = 	snop  }
0x6: {  	_ = 	snop  }
0x7: {  	_ = 	snop  }
__scs_overlays_trampoline_lowered:
0x8: {  	[smem:$0x3FAD] =	sst s0  }
0x9: {  	[smem:$0x3FAE] =	sst s1  }
0xa: {  	[smem:$0x3FAF] =	sst s2  }
0xb: {  	[smem:$0x3FB0] =	sst s3  }
0xc: {  	[smem:$0x3FB1] =	sst s4  }
0xd: {  	[smem:$0x3FB2] =	sst s5  }
0xe: {  	[smem:$0x3FB3] =	sst s6  }
0xf: {  	[smem:$0x3FB4] =	sst s7  }
0x10: {  	[smem:$0x3FB5] =	sst s8  }
0x11: {  	[smem:$0x3FB6] =	sst s9;
	s0 =	simm.s32 @!p0 $0x0  }
0x12: {  	s1 =	sld [smem:$0x3F9C];
	s0 =	simm.s32 @p0 $0x1  }
0x13: {  	[smem:$0x3FB7] =	sst s0;
	s0 =	simm.s32 @!p1 $0x0  }
0x14: {  	s2 =	sld [smem:$0x3F9B];
	s0 =	simm.s32 @p1 $0x1  }
0x15: {  	[smem:$0x3FB8] =	sst s0;
	s0 =	simm.s32 @!p2 $0x0  }
0x16: {  	s3 =	sld [smem:$0x3FDB];
	s0 =	simm.s32 @p2 $0x1  }
0x17: {  	s4 =	simm.s32 $0x1BF5;
	[smem:$0x3FBA] =	sst s0  }
0x18: {  	s0 =	sld [smem:$0x3F9D];
	_ =	swait.ge [sflag:s4], $0x0  }
0x19: {  	s7 =	sld [smem:$0x3F9E]  }
0x1a: {  	s8 =	sadd.s32 $0xFFFFE003, lr  }
0x1b: {  	s9 =	sadd.s32 $0xFFFFFEF7, lr;
	s5 =	simm.s32 $0xFFFFFFFF;
	p2 =	slt.u32 s8, $0xFFFFF086  }
0x1c: {  	p1 =	slt.u32 s9, $0xF7A;
	s5 =	simm.s32 @!p2 $0x0  }
0x1d: {  	s5 =	simm.s32 @p1 $0x1;
	p0 =	seq.s32 s7, s2  }
0x1e: {  	s7 =	smul.u32 @!p0 $0xF7A, s2;
	p2 =	seq.s32 @!p0 s5, $0x0  }
0x1f: {  	s9 =	smul.u32 $0xF7A, s1;
	s8 =	simm.s32 @!p0 $0x1BF5;
	p2 =	por !p2, p0  }
0x20: {  	[sflag:s8] =	ssyncset.s32 @!p0 $0xFFFFF086;
	s6 =	sadd.s32 @!p0 s3, s7;
	s7 =	simm.s32 @!p0 $0x108  }
0x21: {  	s3 =	sadd.s32 s3, s9;
	s6 =	sadd.s32 @!p0 $0x88, s6;
	s7 =	simm.s32 @p2 $0x1082  }
0x22: {  	[simem:s7], [sflag:s8] =	dma.local @!p0 [hbm:s6], $0xF7A  }
0x23: {  	s9 =	sor.u32 $0xD0000000, s2;
	s6 =	simm.s32 $0x108;
	_ =	swait.ge @!p0 [sflag:s8], $0x0  }
0x24: {  	s3 =	sadd.s32 $0x88, s3;
	s6 =	simm.s32 @!p1 $0x1082;
	[sflag:s4] =	ssyncset.s32 $0xFFFFF086  }
0x25: {  	[simem:s6], [sflag:s4] =	dma.local [hbm:s3], $0xF7A  }
0x26: {  	[smem:$0x3F9E] =	sst s1;
	(tag) =	ssettag s2;
	_ =	strace s9  }
0x27: {  	s1 =	sld [smem:$0x3FAE]  }
0x28: {  	s2 =	sld [smem:$0x3FAF]  }
0x29: {  	s4 =	sld [smem:$0x3FB1]  }
0x2a: {  	p0 =	seq.s32 s5, $0x0;
	s5 =	sld [smem:$0x3FB2]  }
0x2b: {  	s6 =	sld [smem:$0x3FB3]  }
0x2c: {  	s7 =	sld [smem:$0x3FB4]  }
0x2d: {  	s3 =	simm.s32 $0x108;
	s8 =	sld [smem:$0x3FB5]  }
0x2e: {  	s3 =	simm.s32 @!p0 $0x1082;
	s9 =	sld [smem:$0x3FB6]  }
0x2f: {  	lr =	sadd.s32 s0, s3;
	s0 =	sld [smem:$0x3FAD]  }
0x30: {  	s3 =	sld [smem:$0x3FB0]  }
0x31: {  	[smem:$0x3FB9] =	sst s10  }
0x32: {  	s10 =	sld [smem:$0x3FB7];
	_ =	sdelay $0x3  }
0x33: {  	p0 =	seq.s32 s10, $0x1;
	s10 =	sld [smem:$0x3FB9];
	_ =	sdelay $0x3  }
0x34: {  	[smem:$0x3FB9] =	sst s10  }
0x35: {  	s10 =	sld [smem:$0x3FB8];
	_ =	sdelay $0x3  }
0x36: {  	p1 =	seq.s32 s10, $0x1;
	s10 =	sld [smem:$0x3FB9];
	_ =	sdelay $0x3  }
0x37: {  	[smem:$0x3FB9] =	sst s10  }
0x38: {  	s10 =	sld [smem:$0x3FBA]  }
0x39: {  	_ = 	snop;
	(pc) =	sbr.ind lr, $3  }
0x3a: {  	_ = 	snop  }
0x3b: {  	_ = 	snop  }
0x3c: {  	p2 =	seq.s32 s10, $0x1;
	s10 =	sld [smem:$0x3FB9]  }
0x3d: {  	_ =	shalt  }
0x3e: {  	_ =	shalt  }
0x3f: {  	_ =	shalt  }
0x40: {  	_ =	shalt  }
0x41: {  	_ =	shalt  }
0x42: {  	_ =	shalt  }
0x43: {  	_ =	shalt  }
0x44: {  	_ =	shalt  }
0x45: {  	_ =	shalt  }
0x46: {  	_ =	shalt  }
0x47: {  	_ =	shalt  }
0x48: {  	_ =	shalt  }
0x49: {  	_ =	shalt  }
0x4a: {  	_ =	shalt  }
0x4b: {  	_ =	shalt  }
0x4c: {  	_ =	shalt  }
0x4d: {  	_ =	shalt  }
0x4e: {  	_ =	shalt  }
0x4f: {  	_ =	shalt  }
0x50: {  	_ =	shalt  }
0x51: {  	_ =	shalt  }
0x52: {  	_ =	shalt  }
0x53: {  	_ =	shalt  }
0x54: {  	_ =	shalt  }
0x55: {  	_ =	shalt  }
0x56: {  	_ =	shalt  }
0x57: {  	_ =	shalt  }
0x58: {  	_ =	shalt  }
0x59: {  	_ =	shalt  }
0x5a: {  	_ =	shalt  }
0x5b: {  	_ =	shalt  }
0x5c: {  	_ =	shalt  }
0x5d: {  	_ =	shalt  }
0x5e: {  	_ =	shalt  }
0x5f: {  	_ =	shalt  }
0x60: {  	_ =	shalt  }
0x61: {  	_ =	shalt  }
0x62: {  	_ =	shalt  }
0x63: {  	_ =	shalt  }
0x64: {  	_ =	shalt  }
0x65: {  	_ =	shalt  }
0x66: {  	_ =	shalt  }
0x67: {  	_ =	shalt  }
0x68: {  	_ =	shalt  }
0x69: {  	_ =	shalt  }
0x6a: {  	_ =	shalt  }
0x6b: {  	_ =	shalt  }
0x6c: {  	_ =	shalt  }
0x6d: {  	_ =	shalt  }
0x6e: {  	_ =	shalt  }
0x6f: {  	_ =	shalt  }
0x70: {  	_ =	shalt  }
0x71: {  	_ =	shalt  }
0x72: {  	_ =	shalt  }
0x73: {  	_ =	shalt  }
0x74: {  	_ =	shalt  }
0x75: {  	_ =	shalt  }
0x76: {  	_ =	shalt  }
0x77: {  	_ =	shalt  }
0x78: {  	_ =	shalt  }
0x79: {  	_ =	shalt  }
0x7a: {  	_ =	shalt  }
0x7b: {  	_ =	shalt  }
0x7c: {  	_ =	shalt  }
0x7d: {  	_ =	shalt  }
0x7e: {  	_ =	shalt  }
0x7f: {  	_ =	shalt  }
0x80: {  	_ =	shalt  }
0x81: {  	_ =	shalt  }
0x82: {  	_ =	shalt  }
0x83: {  	_ =	shalt  }
0x84: {  	_ =	shalt  }
0x85: {  	_ =	shalt  }
0x86: {  	_ =	shalt  }
0x87: {  	_ =	shalt  }
.Lfunc_end0:
.L_simem_size_0:
called_computation_lowered:
.L_overlay_start_0:
0x88: {  	s0 =	sld [smem:$0x3FD9]  }
0x89: {  	s1 =	sld [smem:$0x3FFE];
	_ =	sdelay $0x3  }
0x8a: {  	s0 =	sadd.s32 s1, s0  }
0x8b: {  	[smem:$0x3FC5] =	sst s0  }
0x8c: {  	_ = 	snop  }
0x8d: {  	s0 =	sld [smem:$0x3FC9]  }
0x8e: {  	s16 =	sld [smem:$0x3FC8]  }
0x8f: {  	s2 =	sld [smem:$0x3FD0];
	(tm) =	ssettm $0x1  }
0x90: {  	s3 =	sld [smem:$0x3FFB];
	_ =	sdelay $0x3  }
0x91: {  	_ =	strace s3  }
0x92: {  	s3 =	sld [smem:$0x3FFC];
	_ =	sdelay $0x3  }
0x93: {  	_ =	strace s3  }
0x94: {  	s3 =	sld [smem:$0x3FFD];
	_ =	sdelay $0x3  }
0x95: {  	_ =	strace s3  }
0x96: {  	_ =	strace $0x8FFFFFFF  }
0x97: {  	s17 =	sld [smem:$0x3FDB];
	_ =	sdelay $0x1  }
0x98: {  	s4 =	simm.s32 $_scs_section_size  }
0x99: {  	s5 =	simm.s32 $_size__tile_overlayer_lowered;
	s6 =	simm.s32 $_tile_overlayer_lowered  }
0x9a: {  	s20 =	simm.s32 $0x1BFF;
	s19 =	sshll.u32 s6, $0x1;
	s3 =	sadd.s32 s4, s17  }
0x9b: {  	s7 =	simm.s32 $0x0;
	s18 =	sshll.u32 s5, $0x1;
	s5 =	sadd.s32 s19, s3  }
0x9c: {  	[timem:s7], [sflag:s20] =	dma.local [hbm:s5], s18  }
0x9d: {  	_ =	swait.ge [sflag:s20], s18  }
0x9e: {  	s4 =	ssub.s32 $0x0, s18;
	[sflag:s20] =	ssyncset.done $0x0  }
0x9f: {  	[sflag:s20] =	ssyncadd.s32 s4;
	_ =	sdelay $0x1  }
0xa0: {  	s21 =	simm.s32 $0x1B8B  }
0xa1: {  	_ =	swait.ge [sflag:s21], $0x1  }
0xa2: {  	[sflag:s21] =	ssyncset.done $0x0  }
0xa3: {  	s23 =	simm.s32 $0x1B8E;
	s22 =	sld [smem:$0x3FFE];
	[sflag:s21] =	ssyncadd.s32 $0xFFFFFFFF  }
0xa4: {  	s24 =	simm.s32 $execute0_lowered;
	[smem:$0x3FD2] =	sst s23  }
0xa5: {  	s5 =	sshll.u32 s24, $0x1;
	_ =	strace $0x80000046;
	[dreg:$0x1] =	wrdreg $0xFFFFFFFF  }
0xa6: {  	s25 =	simm.s32 $_size_execute0_lowered;
	s3 =	sadd.s32 s3, s5;
	[dreg:$0x0] =	wrdreg $0x0  }
0xa7: {  	s5 =	sshll.u32 s25, $0x1;
	[dreg:$0x2] =	wrdreg s3  }
0xa8: {  	[dreg:$0x3] =	wrdreg s5  }
0xa9: {  	[dreg:$0x4] =	wrdreg $0xC0  }
0xaa: {  	_ =	task [dreg:s7], $0x5FFFF  }
0xab: {  	[dreg:$0x1] =	wrdreg $0xFFFFFFFF  }
0xac: {  	[dreg:$0x0] =	wrdreg $0x60  }
0xad: {  	[dreg:$0x2] =	wrdreg s0  }
0xae: {  	[dreg:$0x3] =	wrdreg s16  }
0xaf: {  	[dreg:$0x4] =	wrdreg s22  }
0xb0: {  	[dreg:$0x5] =	wrdreg s2  }
0xb1: {  	[dreg:$0x6] =	wrdreg $0x9  }
0xb2: {  	_ =	task.clear_ibuf [dreg:s7], $0x7FFFF;
	_ =	strace $0x90000046  }
0xb3: {  	s26 =	simm.s32 $0x9;
	_ =	strace $0x80000048  }
0xb4: {  	_ =	swait.ge [sflag:s26], $0x1  }
0xb5: {  	[sflag:s26] =	ssyncadd.s32 $0xFFFFFFFF  }
0xb6: {  	_ =	strace $0x90000048  }
0xb7: {  	_ =	sfence  }
0xb8: {  	s28 =	sld [smem:$0x0];
	_ =	sdelay $0x1  }
0xb9: {  	s29 =	srdreg.scid  }
0xba: {  	s30 =	sshll.u32 s29, $0xD;
	s31 =	sshrl.u32 s29, $0x2  }
0xbb: {  	s1 =	sand.u32 $0x1, s29;
	s2 =	sand.u32 $0x4000, s30;
	s0 =	sadd.s32 s31, s28  }
0xbc: {  	s1 =	sor.u32 s2, s1;
	s0 =	sshll.u32 s0, $0x11  }
0xbd: {  	s0 =	sor.u32 s0, s1  }
0xbe: {  	s0 =	sadd.s32 $0x8F2B, s0  }
0xbf: {  	[sflag:s0] =	ssyncadd.remote.s32 $0x1  }
0xc0: {  	_ =	sfence.sel $0xFFFF  }
0xc1: {  	[dreg:$0x0] =	wrdreg $0xFFFFFFFF;
	(pc) =	sbr.abs _section_cstart, $3  }
0xc2: {  	[dreg:$0x1] =	wrdreg $0xFFFFFFFF  }
0xc3: {  	_ =	task.clear_ibuf [dreg:s7], $0x2FFFF;
	_ =	strace $0x9FFFFFFF  }
0xc4: {  	(tm) =	ssettm $0x7FFFFFFF  }
0xc5: {  	_ =	shalt  }
tec
execute0_lowered:
.L_overlay_start_1:
0x0: {  	(tag) =	ssettag $0x1  }
0x1: {  	s5 =	rddreg [dreg:$0x0]  }
0x2: {  	s6 =	rddreg [dreg:$0x1]  }
0x3: {  	s7 =	rddreg [dreg:$0x2]  }
0x4: {  	s3 =	rddreg [dreg:$0x3];
	s2 =	simm.s32 $0x0;
	s1 =	stileid.u32  }
0x5: {  	[smem:$0x7FF] =	sst s2;
	s4 =	sshll.u32 s1, $0x3  }
0x6: {  	s0 =	rddreg [dreg:$0x4];
	_ =	strace $0x80000047;
	s6 =	sadd.s32 s6, s4  }
0x7: {  	[tilespmem:s2], [sflag:$0x1] =	stream.linear.gather [hbm4b:s6+s2], $0x40, $0x38;
	[tilespmem:$0x300] =	vst v63  }
0x8: {  	s19 =	simm.s32 $0x80;
	s20 =	simm.s32 $0x2;
	s18 =	sadd.s32 $0x400, s7  }
0x9: {  	[tilespmem:s19], [sflag:$0x2] =	stream.linear.gather [hbm4b:s18+s2], $0x80, $0x38;
	[tilespmem:$0x300] =	vst v63  }
0xa: {  	_ =	swait.ge [sflag:s20], $0x80  }
0xb: {  	[sflag:s20] =	ssyncset.done $0x0  }
0xc: {  	[sflag:s20] =	ssyncadd.s32 $0xFFFFFF80  }
0xd: {  	v0 =	vld [tilespmem:$0x80];
	_ =	sdelay $0x4  }
0xe: {  	(v2sf) =	vpush v0, $0x0;
	_ =	sdelay $0xe  }
0xf: {  	s8 =	sshll.u32 s1, $0x6;
	s21 =	sshll.u32 s1, $0x9;
	s9 =	spop (v2sf)  }
0x10: {  	s7 =	sor.u32 s21, s8;
	s10 =	sshll.u32 s9, $0xA  }
0x11: {  	s7 =	sand.u32 $0x1C40, s7;
	s9 =	sshll.u32 s9, $0x7;
	s10 =	sand.u32 $0xFFFFE000, s10  }
0x12: {  	s9 =	sand.u32 $0x380, s9;
	s7 =	sor.u32 s10, s7  }
0x13: {  	s7 =	sor.u32 s9, s7  }
0x14: {  	s7 =	sshrl.u32 s7, $0x3  }
0x15: {  	s22 =	simm.s32 $0x200;
	s23 =	simm.s32 $0x1;
	s7 =	sadd.s32 s5, s7  }
0x16: {  	[tilespmem:s22], [sflag:$0x2] =	stream.linear.gather [hbm4b:s7+s2], $0x40, $0x38;
	[tilespmem:$0x300] =	vst v63  }
0x17: {  	v1 =	vlaneseq.u32;
	_ =	swait.ge [sflag:s23], $0x40  }
0x18: {  	v37 =	vmov s8;
	s24 =	sor.u32 $0x10, s8;
	v2 =	vor.u32 s8, v1;
	[sflag:s23] =	ssyncset.done $0x0  }
0x19: {  	s25 =	sor.u32 $0x20, s8;
	s8 =	sor.u32 $0x30, s8;
	v3 =	vmov s24;
	v2 =	vand.u32 $0x4F, v2;
	v4 =	vor.u32 s24, v1;
	[sflag:s23] =	ssyncadd.s32 $0xFFFFFFC0  }
0x1a: {  	v6 =	vmov s25;
	v41 =	vor.u32 s25, v1;
	v7 =	vmov s8;
	v5 =	vld [tilespmem:$0x0]  }
0x1b: {  	v1 =	vor.u32 s8, v1;
	v3 =	vshll.u32 v3, $0x3;
	v4 =	vand.u32 $0x5F, v4;
	v40 =	vld [tilespmem:$0x10]  }
0x1c: {  	v39 =	vshll.u32 v6, $0x3;
	v6 =	vand.u32 $0x6F, v41;
	v7 =	vshll.u32 v7, $0x3;
	v9 =	vld [tilespmem:$0x20]  }
0x1d: {  	v1 =	vand.u32 $0x7F, v1;
	v3 =	vand.u32 $0x1C00, v3;
	v7 =	vand.u32 $0x1C00, v7;
	v43 =	vld [tilespmem:$0x30]  }
0x1e: {  	v38 =	vor.u32 v3, v4;
	v3 =	vand.u32 $0x1C00, v39;
	v0 =	vshll.u32 v37, $0x3  }
0x1f: {  	v1 =	vor.u32 v7, v1;
	v3 =	vor.u32 v3, v6;
	v0 =	vand.u32 $0x1C00, v0  }
0x20: {  	v0 =	vor.u32 v0, v2;
	v8 =	vshll.u32 v5, $0xA;
	v5 =	vshll.u32 v5, $0x7  }
0x21: {  	v44 =	vshll.u32 v40, $0xA;
	v4 =	vshll.u32 v40, $0x7;
	v45 =	vshll.u32 v9, $0xA  }
0x22: {  	v46 =	vshll.u32 v9, $0x7;
	v47 =	vshll.u32 v43, $0xA;
	v50 =	vshll.u32 v43, $0x7  }
0x23: {  	v42 =	vand.u32 $0xFFFFE000, v8;
	v5 =	vand.u32 $0x380, v5;
	v6 =	vand.u32 $0xFFFFE000, v44  }
0x24: {  	v4 =	vand.u32 $0x380, v4;
	v49 =	vand.u32 $0xFFFFE000, v47;
	v0 =	vor.u32 v42, v0  }
0x25: {  	v51 =	vand.u32 $0x380, v50;
	v2 =	vor.u32 v6, v38;
	v0 =	vor.u32 v5, v0  }
0x26: {  	v1 =	vor.u32 v49, v1;
	v2 =	vor.u32 v4, v2;
	v4 =	vand.u32 $0xFFFFE000, v45;
	[tilespmem:$0x100] =	vst v0  }
0x27: {  	v5 =	vand.u32 $0x380, v46;
	v52 =	vor.u32 v51, v1;
	v48 =	vor.u32 v4, v3;
	[tilespmem:$0x110] =	vst v2  }
0x28: {  	[tilespmem:$0x130] =	vst v52;
	v0 =	vor.u32 v5, v48  }
0x29: {  	s26 =	simm.s32 $0x40;
	s28 =	simm.s32 $0x100;
	s29 =	simm.s32 $0x180;
	[tilespmem:$0x120] =	vst v0  }
0x2a: {  	[tilespmem:s29], [sflag:$0x1] =	stream.indirect.gather [hbm4b:s5+s26], $0x1, s28, s26, $0xb8;
	[tilespmem:$0x300] =	vst v63  }
0x2b: {  	_ =	swait.ge [sflag:s20], $0x40  }
0x2c: {  	[sflag:s20] =	ssyncset.done $0x0  }
0x2d: {  	[sflag:s20] =	ssyncadd.s32 $0xFFFFFFC0  }
0x2e: {  	_ =	swait.ge [sflag:s23], $0x40  }
0x2f: {  	[sflag:s23] =	ssyncset.done $0x0  }
0x30: {  	[sflag:s23] =	ssyncadd.s32 $0xFFFFFFC0  }
0x31: {  	v53 =	vld [tilespmem:$0x180]  }
0x32: {  	v54 =	vld [tilespmem:$0x200]  }
0x33: {  	v55 =	vld [tilespmem:$0x190]  }
0x34: {  	v56 =	vld [tilespmem:$0x210]  }
0x35: {  	v57 =	vld [tilespmem:$0x1A0]  }
0x36: {  	v58 =	vld [tilespmem:$0x220]  }
0x37: {  	v59 =	vld [tilespmem:$0x1B0]  }
0x38: {  	v60 =	vld [tilespmem:$0x230];
	_ =	sdelay $0x1  }
0x39: {  	v0 =	vsub.f32 v53, v54  }
0x3a: {  	v61 =	vsub.f32 v55, v56  }
0x3b: {  	v62 =	vsub.f32 v57, v58;
	[tilespmem:$0x280] =	vst v0  }
0x3c: {  	v63 =	vsub.f32 v59, v60;
	[tilespmem:$0x290] =	vst v61  }
0x3d: {  	[tilespmem:$0x2A0] =	vst v62  }
0x3e: {  	s30 =	simm.s32 $0x280;
	s31 =	simm.s32 $0x3;
	s3 =	sadd.s32 s3, s4;
	[tilespmem:$0x2B0] =	vst v63  }
0x3f: {  	[hbm4b:s3+s2] =	stream.linear.scatter [tilespmem:s30], [sflag:$0x3], $0x40, $0x38;
	[tilespmem:$0x300] =	vst v63  }
0x40: {  	_ =	swait.ge [sflag:s31], $0x40  }
0x41: {  	[sflag:s31] =	ssyncset.done $0x0  }
0x42: {  	[sflag:s31] =	ssyncadd.s32 $0xFFFFFFC0  }
0x43: {  	_ =	sfence.sel $0x180000  }
0x44: {  	[bflag:$0x0] =	sbarrier.arrive $0xFFFF  }
0x45: {  	p0 =	sne.s32 s1, $0x0;
	_ =	strace $0x90000047  }
0x46: {  	s0 =	sadd.s32 @!p0 $0x100000, s0;
	[bflag:$0x2] =	sbarrier.arrive $0xFFFF  }
0x47: {  	[sflag:s0] =	ssyncadd.tile.s32 @!p0 $0x1;
	_ =	shalt  }
.Lfunc_end2:
_tile_overlayer_lowered:
.L_overlay_start_2:
0x48: {  	(tag) =	ssettag $0x2  }
0x49: {  	s0 =	rddreg [dreg:$0x0];
	s2 =	stileid.u32  }
0x4a: {  	s1 =	rddreg [dreg:$0x1];
	p0 =	sne.s32 s2, $0x0  }
0x4b: {  	s3 =	rddreg [dreg:$0x2];
	[bflag:$0x3] =	sbarrier.arrive $0xFFFF;
	s2 =	simm.s32 @!p0 $0x1C03  }
0x4c: {  	[timem:s3], [sflag:s2] =	dma.local @!p0 [hbm:s0], s1  }
0x4d: {  	s0 =	simm.s32 @!p0 $0x3  }
0x4e: {  	_ =	swait.ge @!p0 [sflag:s0], s1  }
0x4f: {  	s1 =	ssub.s32 @!p0 $0x0, s1;
	[sflag:s0] =	ssyncset.done @!p0 $0x0  }
0x50: {  	[sflag:s0] =	ssyncadd.s32 @!p0 s1  }
0x51: {  	[bflag:$0x3] =	sbarrier.arrive $0xFFFF  }
0x52: {  	_ =	shalt  }

</sc_bundles>
